<compile_context>
chip_gen: v7x
topology: tpu7x:2x2x1
jax: 0.10.2.dev20260603
libtpu: 0.0.44.dev20260713+nightly
codegen_flags: <defaults>
</compile_context>

<pallas_src>
import functools

import jax
import jax.numpy as jnp
from jax import lax
from jax.experimental import pallas as pl
from jax.experimental.pallas import tpu as pltpu
from jax.experimental.pallas import tpu_sc as plsc

NUM_FIELDS = 26
VOCAB_P1 = 100001
EMB_DIM = 32
BATCH = 16384

NC, NS, L = 2, 16, 16
NW = NC * NS
JROWS = NUM_FIELDS * EMB_DIM
JPW = JROWS // NW
OCH = 4096
NOCH = BATCH // OCH
UNROLL = 8

_MESH = plsc.VectorSubcoreMesh(
    core_axis_name="c", subcore_axis_name="s", num_cores=NC, num_subcores=NS
)


@functools.partial(
    pl.kernel,
    out_type=jax.ShapeDtypeStruct((JROWS, BATCH), jnp.float32),
    mesh=_MESH,
    scratch_types=[
        pltpu.VMEM((VOCAB_P1,), jnp.float32),
        pltpu.VMEM((BATCH,), jnp.int32),
        pltpu.VMEM((2, OCH), jnp.float32),
        pltpu.SemaphoreType.DMA,
    ],
    compiler_params=pltpu.CompilerParams(
        use_tc_tiling_on_sc=True, needs_layout_passes=False
    ),
)
def _embed_kernel(xt_hbm, tab_hbm, out_hbm, rowbuf, idxb, outb, sem):
    cid = lax.axis_index("c")
    sid = lax.axis_index("s")
    wid = sid * NC + cid
    j0 = wid * JPW

    def pair_body(k, fprev):
        j = j0 + k
        f = j // EMB_DIM
        c = j % EMB_DIM

        @pl.when(f != fprev)
        def _():
            pltpu.sync_copy(xt_hbm.at[f], idxb)

        pltpu.sync_copy(tab_hbm.at[f, c], rowbuf)

        descs = [None, None]
        for q in range(NOCH):
            b0 = q * OCH
            p = q % 2
            if descs[p] is not None:
                descs[p].wait()

            @plsc.parallel_loop(0, OCH, step=L, unroll=UNROLL)
            def _gather(off, b0=b0, p=p):
                v = idxb[pl.ds(b0 + off, L)]
                outb[p, pl.ds(off, L)] = plsc.load_gather(rowbuf, [v])
            descs[p] = pltpu.async_copy(
                outb.at[p], out_hbm.at[j, pl.ds(b0, OCH)], sem
            )
        for d in descs:
            d.wait()
        return f

    lax.fori_loop(0, JPW, pair_body, jnp.int32(-1))


def kernel(x, tables):
    xt = x.T.astype(jnp.int32)
    tabt = jnp.transpose(tables, (0, 2, 1))
    out_t = _embed_kernel(xt, tabt)
    return out_t.T

# --- scband reference (transcript-rebuilt; emitter-appended) ---
"""Pipeline reference for scband-embed-30416958390914 (READ-ONLY COPY).

The authoritative reference and input builder live on the scoring server;
editing this copy changes nothing except your own understanding.
"""

import jax, jax.numpy as jnp
import numpy as np

NUM_FIELDS = 26
VOCAB = 100000
EMB_DIM = 32
BATCH = 16384


def setup_inputs(seed: int = 0) -> dict:
    key = jax.random.key(seed)
    k1, k2 = jax.random.split(key)
    # categorical indices: int in [0, VOCAB) (table has VOCAB+1 rows, matching nn.Embedding(num_emb+1, emb_dim))
    x = jax.random.randint(k1, (BATCH, NUM_FIELDS), 0, VOCAB)
    # one embedding table per categorical field, stacked: [NUM_FIELDS, VOCAB+1, EMB_DIM]
    tables = jax.random.normal(k2, (NUM_FIELDS, VOCAB + 1, EMB_DIM), dtype=jnp.float32) * 0.02
    return {"x": x, "tables": tables}


def reference(x, tables):
    # Embed.forward with numerical=[]: embed each categorical column with its own
    # table and concatenate along the feature dim -> [BATCH, NUM_FIELDS * EMB_DIM]
    embedded = [jnp.take(tables[i], x[:, i], axis=0) for i in range(NUM_FIELDS)]
    embedded_x = jnp.concatenate(embedded, axis=1)
    return embedded_x

if __name__ == "__main__":
    import jax
    _d = setup_inputs()
    print(jax.jit(kernel)(*tuple(_d.values())))

</pallas_src>

<mosaic_0001>
#map = affine_map<(d0, d1) -> (0, 0)>
#map1 = affine_map<(d0, d1) -> (0, 0, 0)>
module attributes {stable_mosaic.version = 14 : i64} {
  func.func @_embed_kernel(%arg0: i32, %arg1: i32, %arg2: memref<26x16384xi32, #tpu.memory_space<hbm>>, %arg3: memref<26x32x100001xf32, #tpu.memory_space<hbm>>, %arg4: memref<832x16384xf32, #tpu.memory_space<hbm>>, %arg5: memref<100001xf32, #tpu.memory_space<vmem>>, %arg6: memref<16384xi32, #tpu.memory_space<vmem>>, %arg7: memref<2x4096xf32, #tpu.memory_space<vmem>>, %arg8: memref<!tpu.dma_semaphore, #tpu.memory_space<semaphore_mem>>) attributes {dimension_semantics = [#tpu.dimension_semantics<core_parallel>, #tpu.dimension_semantics<subcore_parallel>], iteration_bounds = array<i64: 2, 16>, scalar_prefetch = 0 : i64, scratch_operands = 4 : i64, tpu.core_type = #tpu.core_type<sc_vector_subcore>, window_params = [{transform_indices = #map}, {transform_indices = #map1}, {transform_indices = #map}]} {
    %mul3A = arith.constant 2 : i32
    %mul3A_0 = arith.muli %arg1, %mul3A : i32
    %add3A = arith.addi %mul3A_0, %arg0 : i32
    %mul3A_1 = arith.constant 26 : i32
    %mul3A_2 = arith.muli %add3A, %mul3A_1 : i32
    %scan3A = arith.constant -1 : i32
    %scan3A_3 = arith.constant 0 : i32
    %scan3A_4 = arith.constant 26 : i32
    %scan3A_5 = arith.addi %scan3A_3, %scan3A_4 : i32
    %scan3A_6 = arith.constant 1 : i32
    %scan3A_7 = scf.for %scan3A_9 = %scan3A_3 to %scan3A_5 step %scan3A_6 iter_args(%scan3A_10 = %scan3A) -> (i32)  : i32 {
      %add3A_11 = arith.addi %mul3A_2, %scan3A_9 : i32
      %jit3A = arith.constant 32 : i32
      %div3A = arith.divsi %add3A_11, %jit3A : i32
      %sign3A = arith.constant 0 : i32
      %sign3A_12 = arith.cmpi sgt, %add3A_11, %sign3A : i32
      %sign3A_13 = arith.extui %sign3A_12 : i1 to i32
      %sign3A_14 = arith.constant 0 : i32
      %sign3A_15 = arith.cmpi slt, %add3A_11, %sign3A_14 : i32
      %sign3A_16 = arith.extui %sign3A_15 : i1 to i32
      %sign3A_17 = arith.subi %sign3A_13, %sign3A_16 : i32
      %sign3A_18 = arith.constant 0 : i32
      %sign3A_19 = arith.cmpi sgt, %jit3A, %sign3A_18 : i32
      %sign3A_20 = arith.extui %sign3A_19 : i1 to i32
      %sign3A_21 = arith.constant 0 : i32
      %sign3A_22 = arith.cmpi slt, %jit3A, %sign3A_21 : i32
      %sign3A_23 = arith.extui %sign3A_22 : i1 to i32
      %sign3A_24 = arith.subi %sign3A_20, %sign3A_23 : i32
      %ne3A = arith.cmpi ne, %sign3A_17, %sign3A_24 : i32
      %rem3A = arith.remsi %add3A_11, %jit3A : i32
      %ne3A_25 = arith.constant 0 : i32
      %ne3A_26 = arith.cmpi ne, %rem3A, %ne3A_25 : i32
      %and3A = arith.andi %ne3A, %ne3A_26 : i1
      %sub3A = arith.constant 1 : i32
      %sub3A_27 = arith.subi %div3A, %sub3A : i32
      %select_n3A = arith.select %and3A, %sub3A_27, %div3A : i32
      %jit3A_28 = arith.constant 32 : i32
      %eq3A = arith.constant 0 : i32
      %eq3A_29 = arith.cmpi eq, %jit3A_28, %eq3A : i32
      %jit3A_30 = arith.constant 1 : i32
      %select_n3A_31 = arith.select %eq3A_29, %jit3A_30, %jit3A_28 : i32
      %rem3A_32 = arith.remsi %add3A_11, %select_n3A_31 : i32
      %ne3A_33 = arith.constant 0 : i32
      %ne3A_34 = arith.cmpi ne, %rem3A_32, %ne3A_33 : i32
      %lt3A = arith.constant 0 : i32
      %lt3A_35 = arith.cmpi slt, %rem3A_32, %lt3A : i32
      %lt3A_36 = arith.constant 0 : i32
      %lt3A_37 = arith.cmpi slt, %select_n3A_31, %lt3A_36 : i32
      %ne3A_38 = arith.xori %lt3A_35, %lt3A_37 : i1
      %and3A_39 = arith.andi %ne3A_38, %ne3A_34 : i1
      %add3A_40 = arith.addi %rem3A_32, %select_n3A_31 : i32
      %select_n3A_41 = arith.select %and3A_39, %add3A_40, %rem3A_32 : i32
      %ne3A_42 = arith.cmpi ne, %select_n3A, %scan3A_10 : i32
      %convert_element_type3A = arith.extui %ne3A_42 : i1 to i32
      %cond3A = arith.constant 0 : i32
      %cond3A_43 = arith.cmpi ne, %convert_element_type3A, %cond3A : i32
      scf.if %cond3A_43 {
        "tpu.region"() ({
          %run_scoped3A = tpu.sem_alloc : memref<!tpu.dma_semaphore, #tpu.memory_space<semaphore_mem>>
          %dma_start3A_157 = arith.constant 0 : i32
          %dma_start3A_158 = tpu.memref_slice %arg2[%select_n3A, %dma_start3A_157] : memref<26x16384xi32, #tpu.memory_space<hbm>> -> memref<1x16384xi32, #tpu.memory_space<hbm>>
          %dma_start3A_159 = tpu.memref_squeeze %dma_start3A_158 : memref<1x16384xi32, #tpu.memory_space<hbm>> -> memref<16384xi32, #tpu.memory_space<hbm>>
          %dma_start3A_160 = arith.constant 0 : i32
          %dma_start3A_161 = tpu.memref_slice %arg2[%select_n3A, %dma_start3A_160] : memref<26x16384xi32, #tpu.memory_space<hbm>> -> memref<1x16384xi32, #tpu.memory_space<hbm>>
          %dma_start3A_162 = tpu.memref_squeeze %dma_start3A_161 : memref<1x16384xi32, #tpu.memory_space<hbm>> -> memref<16384xi32, #tpu.memory_space<hbm>>
          tpu.enqueue_dma source(%dma_start3A_162 : memref<16384xi32, #tpu.memory_space<hbm>>) target(%arg6 : memref<16384xi32, #tpu.memory_space<vmem>>) target_semaphore(%run_scoped3A : memref<!tpu.dma_semaphore, #tpu.memory_space<semaphore_mem>>)
          %dma_wait3A_163 = arith.constant 0 : i32
          %dma_wait3A_164 = tpu.memref_slice %arg2[%select_n3A, %dma_wait3A_163] : memref<26x16384xi32, #tpu.memory_space<hbm>> -> memref<1x16384xi32, #tpu.memory_space<hbm>>
          %dma_wait3A_165 = tpu.memref_squeeze %dma_wait3A_164 : memref<1x16384xi32, #tpu.memory_space<hbm>> -> memref<16384xi32, #tpu.memory_space<hbm>>
          %dma_wait3A_166 = arith.constant 0 : i32
          %dma_wait3A_167 = tpu.memref_slice %arg2[%select_n3A, %dma_wait3A_166] : memref<26x16384xi32, #tpu.memory_space<hbm>> -> memref<1x16384xi32, #tpu.memory_space<hbm>>
          %dma_wait3A_168 = tpu.memref_squeeze %dma_wait3A_167 : memref<1x16384xi32, #tpu.memory_space<hbm>> -> memref<16384xi32, #tpu.memory_space<hbm>>
          tpu.wait_dma2 semaphore(%run_scoped3A : memref<!tpu.dma_semaphore, #tpu.memory_space<semaphore_mem>>) src(%dma_wait3A_168 : memref<16384xi32, #tpu.memory_space<hbm>>) dst(%arg6 : memref<16384xi32, #tpu.memory_space<vmem>>)
          tpu.yield
        }) : () -> ()
      } else {
      }
      "tpu.region"() ({
        %run_scoped3A = tpu.sem_alloc : memref<!tpu.dma_semaphore, #tpu.memory_space<semaphore_mem>>
        %dma_start3A_157 = arith.constant 0 : i32
        %dma_start3A_158 = tpu.memref_slice %arg3[%select_n3A, %select_n3A_41, %dma_start3A_157] : memref<26x32x100001xf32, #tpu.memory_space<hbm>> -> memref<1x1x100001xf32, #tpu.memory_space<hbm>>
        %dma_start3A_159 = tpu.memref_squeeze %dma_start3A_158 : memref<1x1x100001xf32, #tpu.memory_space<hbm>> -> memref<100001xf32, #tpu.memory_space<hbm>>
        %dma_start3A_160 = arith.constant 0 : i32
        %dma_start3A_161 = tpu.memref_slice %arg3[%select_n3A, %select_n3A_41, %dma_start3A_160] : memref<26x32x100001xf32, #tpu.memory_space<hbm>> -> memref<1x1x100001xf32, #tpu.memory_space<hbm>>
        %dma_start3A_162 = tpu.memref_squeeze %dma_start3A_161 : memref<1x1x100001xf32, #tpu.memory_space<hbm>> -> memref<100001xf32, #tpu.memory_space<hbm>>
        tpu.enqueue_dma source(%dma_start3A_162 : memref<100001xf32, #tpu.memory_space<hbm>>) target(%arg5 : memref<100001xf32, #tpu.memory_space<vmem>>) target_semaphore(%run_scoped3A : memref<!tpu.dma_semaphore, #tpu.memory_space<semaphore_mem>>)
        %dma_wait3A_163 = arith.constant 0 : i32
        %dma_wait3A_164 = tpu.memref_slice %arg3[%select_n3A, %select_n3A_41, %dma_wait3A_163] : memref<26x32x100001xf32, #tpu.memory_space<hbm>> -> memref<1x1x100001xf32, #tpu.memory_space<hbm>>
        %dma_wait3A_165 = tpu.memref_squeeze %dma_wait3A_164 : memref<1x1x100001xf32, #tpu.memory_space<hbm>> -> memref<100001xf32, #tpu.memory_space<hbm>>
        %dma_wait3A_166 = arith.constant 0 : i32
        %dma_wait3A_167 = tpu.memref_slice %arg3[%select_n3A, %select_n3A_41, %dma_wait3A_166] : memref<26x32x100001xf32, #tpu.memory_space<hbm>> -> memref<1x1x100001xf32, #tpu.memory_space<hbm>>
        %dma_wait3A_168 = tpu.memref_squeeze %dma_wait3A_167 : memref<1x1x100001xf32, #tpu.memory_space<hbm>> -> memref<100001xf32, #tpu.memory_space<hbm>>
        tpu.wait_dma2 semaphore(%run_scoped3A : memref<!tpu.dma_semaphore, #tpu.memory_space<semaphore_mem>>) src(%dma_wait3A_168 : memref<100001xf32, #tpu.memory_space<hbm>>) dst(%arg5 : memref<100001xf32, #tpu.memory_space<vmem>>)
        tpu.yield
      }) : () -> ()
      %parallel_loop3A = arith.constant 0 : i32
      %parallel_loop3A_44 = arith.constant 4096 : i32
      %parallel_loop3A_45 = arith.constant 16 : i32
      scf.for %parallel_loop3A_157 = %parallel_loop3A to %parallel_loop3A_44 step %parallel_loop3A_45  : i32 {
        %parallel_loop3A_158 = arith.constant 0 : i32
        %parallel_loop3A_159 = arith.addi %parallel_loop3A_158, %parallel_loop3A_157 : i32
        %parallel_loop3A_160 = arith.index_cast %parallel_loop3A_159 : i32 to index
        %parallel_loop3A_161 = tpu.vector_load %arg6[%parallel_loop3A_160] {strides = array<i32>} : memref<16384xi32, #tpu.memory_space<vmem>>, vector<16xi32>,
        %parallel_loop3A_162 = tpu.vector_load_idx %arg5[%parallel_loop3A_161] : memref<100001xf32, #tpu.memory_space<vmem>>[vector<16xi32>], vector<16xf32>,
        %parallel_loop3A_163 = arith.constant 0 : i32
        %parallel_loop3A_164 = arith.index_cast %parallel_loop3A_163 : i32 to index
        %parallel_loop3A_165 = arith.index_cast %parallel_loop3A_157 : i32 to index
        %parallel_loop3A_166 = tpu.vector_load %arg7[%parallel_loop3A_164, %parallel_loop3A_165] {strides = array<i32>} : memref<2x4096xf32, #tpu.memory_space<vmem>>, vector<16xf32>,
        tpu.vector_store %arg7[%parallel_loop3A_164, %parallel_loop3A_165], %parallel_loop3A_162 {strides = array<i32>} : memref<2x4096xf32, #tpu.memory_space<vmem>>, vector<16xf32>,
      } {sc.loop_unroll_factor = 8 : i64, sc.parallel_access}
      %dma_start3A = arith.constant 0 : i32
      %dma_start3A_46 = arith.constant 0 : i32
      %dma_start3A_47 = tpu.memref_slice %arg7[%dma_start3A, %dma_start3A_46] : memref<2x4096xf32, #tpu.memory_space<vmem>> -> memref<1x4096xf32, #tpu.memory_space<vmem>>
      %dma_start3A_48 = tpu.memref_squeeze %dma_start3A_47 : memref<1x4096xf32, #tpu.memory_space<vmem>> -> memref<4096xf32, #tpu.memory_space<vmem>>
      %dma_start3A_49 = arith.constant 0 : i32
      %dma_start3A_50 = tpu.memref_slice %arg4[%add3A_11, %dma_start3A_49] : memref<832x16384xf32, #tpu.memory_space<hbm>> -> memref<1x4096xf32, #tpu.memory_space<hbm>>
      %dma_start3A_51 = tpu.memref_squeeze %dma_start3A_50 : memref<1x4096xf32, #tpu.memory_space<hbm>> -> memref<4096xf32, #tpu.memory_space<hbm>>
      %dma_start3A_52 = arith.constant 0 : i32
      %dma_start3A_53 = tpu.memref_slice %arg4[%add3A_11, %dma_start3A_52] : memref<832x16384xf32, #tpu.memory_space<hbm>> -> memref<1x4096xf32, #tpu.memory_space<hbm>>
      %dma_start3A_54 = tpu.memref_squeeze %dma_start3A_53 : memref<1x4096xf32, #tpu.memory_space<hbm>> -> memref<4096xf32, #tpu.memory_space<hbm>>
      %dma_start3A_55 = arith.constant 0 : i32
      %dma_start3A_56 = tpu.memref_slice %arg7[%dma_start3A, %dma_start3A_55] : memref<2x4096xf32, #tpu.memory_space<vmem>> -> memref<1x4096xf32, #tpu.memory_space<vmem>>
      %dma_start3A_57 = tpu.memref_squeeze %dma_start3A_56 : memref<1x4096xf32, #tpu.memory_space<vmem>> -> memref<4096xf32, #tpu.memory_space<vmem>>
      tpu.enqueue_dma source(%dma_start3A_57 : memref<4096xf32, #tpu.memory_space<vmem>>) target(%dma_start3A_54 : memref<4096xf32, #tpu.memory_space<hbm>>) target_semaphore(%arg8 : memref<!tpu.dma_semaphore, #tpu.memory_space<semaphore_mem>>)
      %parallel_loop3A_58 = arith.constant 0 : i32
      %parallel_loop3A_59 = arith.constant 4096 : i32
      %parallel_loop3A_60 = arith.constant 16 : i32
      scf.for %parallel_loop3A_157 = %parallel_loop3A_58 to %parallel_loop3A_59 step %parallel_loop3A_60  : i32 {
        %parallel_loop3A_158 = arith.constant 4096 : i32
        %parallel_loop3A_159 = arith.addi %parallel_loop3A_158, %parallel_loop3A_157 : i32
        %parallel_loop3A_160 = arith.index_cast %parallel_loop3A_159 : i32 to index
        %parallel_loop3A_161 = tpu.vector_load %arg6[%parallel_loop3A_160] {strides = array<i32>} : memref<16384xi32, #tpu.memory_space<vmem>>, vector<16xi32>,
        %parallel_loop3A_162 = tpu.vector_load_idx %arg5[%parallel_loop3A_161] : memref<100001xf32, #tpu.memory_space<vmem>>[vector<16xi32>], vector<16xf32>,
        %parallel_loop3A_163 = arith.constant 1 : i32
        %parallel_loop3A_164 = arith.index_cast %parallel_loop3A_163 : i32 to index
        %parallel_loop3A_165 = arith.index_cast %parallel_loop3A_157 : i32 to index
        %parallel_loop3A_166 = tpu.vector_load %arg7[%parallel_loop3A_164, %parallel_loop3A_165] {strides = array<i32>} : memref<2x4096xf32, #tpu.memory_space<vmem>>, vector<16xf32>,
        tpu.vector_store %arg7[%parallel_loop3A_164, %parallel_loop3A_165], %parallel_loop3A_162 {strides = array<i32>} : memref<2x4096xf32, #tpu.memory_space<vmem>>, vector<16xf32>,
      } {sc.loop_unroll_factor = 8 : i64, sc.parallel_access}
      %dma_start3A_61 = arith.constant 1 : i32
      %dma_start3A_62 = arith.constant 0 : i32
      %dma_start3A_63 = tpu.memref_slice %arg7[%dma_start3A_61, %dma_start3A_62] : memref<2x4096xf32, #tpu.memory_space<vmem>> -> memref<1x4096xf32, #tpu.memory_space<vmem>>
      %dma_start3A_64 = tpu.memref_squeeze %dma_start3A_63 : memref<1x4096xf32, #tpu.memory_space<vmem>> -> memref<4096xf32, #tpu.memory_space<vmem>>
      %dma_start3A_65 = arith.constant 4096 : i32
      %dma_start3A_66 = tpu.memref_slice %arg4[%add3A_11, %dma_start3A_65] : memref<832x16384xf32, #tpu.memory_space<hbm>> -> memref<1x4096xf32, #tpu.memory_space<hbm>>
      %dma_start3A_67 = tpu.memref_squeeze %dma_start3A_66 : memref<1x4096xf32, #tpu.memory_space<hbm>> -> memref<4096xf32, #tpu.memory_space<hbm>>
      %dma_start3A_68 = arith.constant 4096 : i32
      %dma_start3A_69 = tpu.memref_slice %arg4[%add3A_11, %dma_start3A_68] : memref<832x16384xf32, #tpu.memory_space<hbm>> -> memref<1x4096xf32, #tpu.memory_space<hbm>>
      %dma_start3A_70 = tpu.memref_squeeze %dma_start3A_69 : memref<1x4096xf32, #tpu.memory_space<hbm>> -> memref<4096xf32, #tpu.memory_space<hbm>>
      %dma_start3A_71 = arith.constant 0 : i32
      %dma_start3A_72 = tpu.memref_slice %arg7[%dma_start3A_61, %dma_start3A_71] : memref<2x4096xf32, #tpu.memory_space<vmem>> -> memref<1x4096xf32, #tpu.memory_space<vmem>>
      %dma_start3A_73 = tpu.memref_squeeze %dma_start3A_72 : memref<1x4096xf32, #tpu.memory_space<vmem>> -> memref<4096xf32, #tpu.memory_space<vmem>>
      tpu.enqueue_dma source(%dma_start3A_73 : memref<4096xf32, #tpu.memory_space<vmem>>) target(%dma_start3A_70 : memref<4096xf32, #tpu.memory_space<hbm>>) target_semaphore(%arg8 : memref<!tpu.dma_semaphore, #tpu.memory_space<semaphore_mem>>)
      %dma_wait3A = arith.constant 0 : i32
      %dma_wait3A_74 = arith.constant 0 : i32
      %dma_wait3A_75 = tpu.memref_slice %arg7[%dma_wait3A, %dma_wait3A_74] : memref<2x4096xf32, #tpu.memory_space<vmem>> -> memref<1x4096xf32, #tpu.memory_space<vmem>>
      %dma_wait3A_76 = tpu.memref_squeeze %dma_wait3A_75 : memref<1x4096xf32, #tpu.memory_space<vmem>> -> memref<4096xf32, #tpu.memory_space<vmem>>
      %dma_wait3A_77 = arith.constant 0 : i32
      %dma_wait3A_78 = tpu.memref_slice %arg4[%add3A_11, %dma_wait3A_77] : memref<832x16384xf32, #tpu.memory_space<hbm>> -> memref<1x4096xf32, #tpu.memory_space<hbm>>
      %dma_wait3A_79 = tpu.memref_squeeze %dma_wait3A_78 : memref<1x4096xf32, #tpu.memory_space<hbm>> -> memref<4096xf32, #tpu.memory_space<hbm>>
      %dma_wait3A_80 = arith.constant 0 : i32
      %dma_wait3A_81 = tpu.memref_slice %arg4[%add3A_11, %dma_wait3A_80] : memref<832x16384xf32, #tpu.memory_space<hbm>> -> memref<1x4096xf32, #tpu.memory_space<hbm>>
      %dma_wait3A_82 = tpu.memref_squeeze %dma_wait3A_81 : memref<1x4096xf32, #tpu.memory_space<hbm>> -> memref<4096xf32, #tpu.memory_space<hbm>>
      %dma_wait3A_83 = arith.constant 0 : i32
      %dma_wait3A_84 = tpu.memref_slice %arg7[%dma_wait3A, %dma_wait3A_83] : memref<2x4096xf32, #tpu.memory_space<vmem>> -> memref<1x4096xf32, #tpu.memory_space<vmem>>
      %dma_wait3A_85 = tpu.memref_squeeze %dma_wait3A_84 : memref<1x4096xf32, #tpu.memory_space<vmem>> -> memref<4096xf32, #tpu.memory_space<vmem>>
      tpu.wait_dma2 semaphore(%arg8 : memref<!tpu.dma_semaphore, #tpu.memory_space<semaphore_mem>>) src(%dma_wait3A_85 : memref<4096xf32, #tpu.memory_space<vmem>>) dst(%dma_wait3A_82 : memref<4096xf32, #tpu.memory_space<hbm>>)
      %parallel_loop3A_86 = arith.constant 0 : i32
      %parallel_loop3A_87 = arith.constant 4096 : i32
      %parallel_loop3A_88 = arith.constant 16 : i32
      scf.for %parallel_loop3A_157 = %parallel_loop3A_86 to %parallel_loop3A_87 step %parallel_loop3A_88  : i32 {
        %parallel_loop3A_158 = arith.constant 8192 : i32
        %parallel_loop3A_159 = arith.addi %parallel_loop3A_158, %parallel_loop3A_157 : i32
        %parallel_loop3A_160 = arith.index_cast %parallel_loop3A_159 : i32 to index
        %parallel_loop3A_161 = tpu.vector_load %arg6[%parallel_loop3A_160] {strides = array<i32>} : memref<16384xi32, #tpu.memory_space<vmem>>, vector<16xi32>,
        %parallel_loop3A_162 = tpu.vector_load_idx %arg5[%parallel_loop3A_161] : memref<100001xf32, #tpu.memory_space<vmem>>[vector<16xi32>], vector<16xf32>,
        %parallel_loop3A_163 = arith.constant 0 : i32
        %parallel_loop3A_164 = arith.index_cast %parallel_loop3A_163 : i32 to index
        %parallel_loop3A_165 = arith.index_cast %parallel_loop3A_157 : i32 to index
        %parallel_loop3A_166 = tpu.vector_load %arg7[%parallel_loop3A_164, %parallel_loop3A_165] {strides = array<i32>} : memref<2x4096xf32, #tpu.memory_space<vmem>>, vector<16xf32>,
        tpu.vector_store %arg7[%parallel_loop3A_164, %parallel_loop3A_165], %parallel_loop3A_162 {strides = array<i32>} : memref<2x4096xf32, #tpu.memory_space<vmem>>, vector<16xf32>,
      } {sc.loop_unroll_factor = 8 : i64, sc.parallel_access}
      %dma_start3A_89 = arith.constant 0 : i32
      %dma_start3A_90 = arith.constant 0 : i32
      %dma_start3A_91 = tpu.memref_slice %arg7[%dma_start3A_89, %dma_start3A_90] : memref<2x4096xf32, #tpu.memory_space<vmem>> -> memref<1x4096xf32, #tpu.memory_space<vmem>>
      %dma_start3A_92 = tpu.memref_squeeze %dma_start3A_91 : memref<1x4096xf32, #tpu.memory_space<vmem>> -> memref<4096xf32, #tpu.memory_space<vmem>>
      %dma_start3A_93 = arith.constant 8192 : i32
      %dma_start3A_94 = tpu.memref_slice %arg4[%add3A_11, %dma_start3A_93] : memref<832x16384xf32, #tpu.memory_space<hbm>> -> memref<1x4096xf32, #tpu.memory_space<hbm>>
      %dma_start3A_95 = tpu.memref_squeeze %dma_start3A_94 : memref<1x4096xf32, #tpu.memory_space<hbm>> -> memref<4096xf32, #tpu.memory_space<hbm>>
      %dma_start3A_96 = arith.constant 8192 : i32
      %dma_start3A_97 = tpu.memref_slice %arg4[%add3A_11, %dma_start3A_96] : memref<832x16384xf32, #tpu.memory_space<hbm>> -> memref<1x4096xf32, #tpu.memory_space<hbm>>
      %dma_start3A_98 = tpu.memref_squeeze %dma_start3A_97 : memref<1x4096xf32, #tpu.memory_space<hbm>> -> memref<4096xf32, #tpu.memory_space<hbm>>
      %dma_start3A_99 = arith.constant 0 : i32
      %dma_start3A_100 = tpu.memref_slice %arg7[%dma_start3A_89, %dma_start3A_99] : memref<2x4096xf32, #tpu.memory_space<vmem>> -> memref<1x4096xf32, #tpu.memory_space<vmem>>
      %dma_start3A_101 = tpu.memref_squeeze %dma_start3A_100 : memref<1x4096xf32, #tpu.memory_space<vmem>> -> memref<4096xf32, #tpu.memory_space<vmem>>
      tpu.enqueue_dma source(%dma_start3A_101 : memref<4096xf32, #tpu.memory_space<vmem>>) target(%dma_start3A_98 : memref<4096xf32, #tpu.memory_space<hbm>>) target_semaphore(%arg8 : memref<!tpu.dma_semaphore, #tpu.memory_space<semaphore_mem>>)
      %dma_wait3A_102 = arith.constant 1 : i32
      %dma_wait3A_103 = arith.constant 0 : i32
      %dma_wait3A_104 = tpu.memref_slice %arg7[%dma_wait3A_102, %dma_wait3A_103] : memref<2x4096xf32, #tpu.memory_space<vmem>> -> memref<1x4096xf32, #tpu.memory_space<vmem>>
      %dma_wait3A_105 = tpu.memref_squeeze %dma_wait3A_104 : memref<1x4096xf32, #tpu.memory_space<vmem>> -> memref<4096xf32, #tpu.memory_space<vmem>>
      %dma_wait3A_106 = arith.constant 4096 : i32
      %dma_wait3A_107 = tpu.memref_slice %arg4[%add3A_11, %dma_wait3A_106] : memref<832x16384xf32, #tpu.memory_space<hbm>> -> memref<1x4096xf32, #tpu.memory_space<hbm>>
      %dma_wait3A_108 = tpu.memref_squeeze %dma_wait3A_107 : memref<1x4096xf32, #tpu.memory_space<hbm>> -> memref<4096xf32, #tpu.memory_space<hbm>>
      %dma_wait3A_109 = arith.constant 4096 : i32
      %dma_wait3A_110 = tpu.memref_slice %arg4[%add3A_11, %dma_wait3A_109] : memref<832x16384xf32, #tpu.memory_space<hbm>> -> memref<1x4096xf32, #tpu.memory_space<hbm>>
      %dma_wait3A_111 = tpu.memref_squeeze %dma_wait3A_110 : memref<1x4096xf32, #tpu.memory_space<hbm>> -> memref<4096xf32, #tpu.memory_space<hbm>>
      %dma_wait3A_112 = arith.constant 0 : i32
      %dma_wait3A_113 = tpu.memref_slice %arg7[%dma_wait3A_102, %dma_wait3A_112] : memref<2x4096xf32, #tpu.memory_space<vmem>> -> memref<1x4096xf32, #tpu.memory_space<vmem>>
      %dma_wait3A_114 = tpu.memref_squeeze %dma_wait3A_113 : memref<1x4096xf32, #tpu.memory_space<vmem>> -> memref<4096xf32, #tpu.memory_space<vmem>>
      tpu.wait_dma2 semaphore(%arg8 : memref<!tpu.dma_semaphore, #tpu.memory_space<semaphore_mem>>) src(%dma_wait3A_114 : memref<4096xf32, #tpu.memory_space<vmem>>) dst(%dma_wait3A_111 : memref<4096xf32, #tpu.memory_space<hbm>>)
      %parallel_loop3A_115 = arith.constant 0 : i32
      %parallel_loop3A_116 = arith.constant 4096 : i32
      %parallel_loop3A_117 = arith.constant 16 : i32
      scf.for %parallel_loop3A_157 = %parallel_loop3A_115 to %parallel_loop3A_116 step %parallel_loop3A_117  : i32 {
        %parallel_loop3A_158 = arith.constant 12288 : i32
        %parallel_loop3A_159 = arith.addi %parallel_loop3A_158, %parallel_loop3A_157 : i32
        %parallel_loop3A_160 = arith.index_cast %parallel_loop3A_159 : i32 to index
        %parallel_loop3A_161 = tpu.vector_load %arg6[%parallel_loop3A_160] {strides = array<i32>} : memref<16384xi32, #tpu.memory_space<vmem>>, vector<16xi32>,
        %parallel_loop3A_162 = tpu.vector_load_idx %arg5[%parallel_loop3A_161] : memref<100001xf32, #tpu.memory_space<vmem>>[vector<16xi32>], vector<16xf32>,
        %parallel_loop3A_163 = arith.constant 1 : i32
        %parallel_loop3A_164 = arith.index_cast %parallel_loop3A_163 : i32 to index
        %parallel_loop3A_165 = arith.index_cast %parallel_loop3A_157 : i32 to index
        %parallel_loop3A_166 = tpu.vector_load %arg7[%parallel_loop3A_164, %parallel_loop3A_165] {strides = array<i32>} : memref<2x4096xf32, #tpu.memory_space<vmem>>, vector<16xf32>,
        tpu.vector_store %arg7[%parallel_loop3A_164, %parallel_loop3A_165], %parallel_loop3A_162 {strides = array<i32>} : memref<2x4096xf32, #tpu.memory_space<vmem>>, vector<16xf32>,
      } {sc.loop_unroll_factor = 8 : i64, sc.parallel_access}
      %dma_start3A_118 = arith.constant 1 : i32
      %dma_start3A_119 = arith.constant 0 : i32
      %dma_start3A_120 = tpu.memref_slice %arg7[%dma_start3A_118, %dma_start3A_119] : memref<2x4096xf32, #tpu.memory_space<vmem>> -> memref<1x4096xf32, #tpu.memory_space<vmem>>
      %dma_start3A_121 = tpu.memref_squeeze %dma_start3A_120 : memref<1x4096xf32, #tpu.memory_space<vmem>> -> memref<4096xf32, #tpu.memory_space<vmem>>
      %dma_start3A_122 = arith.constant 12288 : i32
      %dma_start3A_123 = tpu.memref_slice %arg4[%add3A_11, %dma_start3A_122] : memref<832x16384xf32, #tpu.memory_space<hbm>> -> memref<1x4096xf32, #tpu.memory_space<hbm>>
      %dma_start3A_124 = tpu.memref_squeeze %dma_start3A_123 : memref<1x4096xf32, #tpu.memory_space<hbm>> -> memref<4096xf32, #tpu.memory_space<hbm>>
      %dma_start3A_125 = arith.constant 12288 : i32
      %dma_start3A_126 = tpu.memref_slice %arg4[%add3A_11, %dma_start3A_125] : memref<832x16384xf32, #tpu.memory_space<hbm>> -> memref<1x4096xf32, #tpu.memory_space<hbm>>
      %dma_start3A_127 = tpu.memref_squeeze %dma_start3A_126 : memref<1x4096xf32, #tpu.memory_space<hbm>> -> memref<4096xf32, #tpu.memory_space<hbm>>
      %dma_start3A_128 = arith.constant 0 : i32
      %dma_start3A_129 = tpu.memref_slice %arg7[%dma_start3A_118, %dma_start3A_128] : memref<2x4096xf32, #tpu.memory_space<vmem>> -> memref<1x4096xf32, #tpu.memory_space<vmem>>
      %dma_start3A_130 = tpu.memref_squeeze %dma_start3A_129 : memref<1x4096xf32, #tpu.memory_space<vmem>> -> memref<4096xf32, #tpu.memory_space<vmem>>
      tpu.enqueue_dma source(%dma_start3A_130 : memref<4096xf32, #tpu.memory_space<vmem>>) target(%dma_start3A_127 : memref<4096xf32, #tpu.memory_space<hbm>>) target_semaphore(%arg8 : memref<!tpu.dma_semaphore, #tpu.memory_space<semaphore_mem>>)
      %dma_wait3A_131 = arith.constant 0 : i32
      %dma_wait3A_132 = arith.constant 0 : i32
      %dma_wait3A_133 = tpu.memref_slice %arg7[%dma_wait3A_131, %dma_wait3A_132] : memref<2x4096xf32, #tpu.memory_space<vmem>> -> memref<1x4096xf32, #tpu.memory_space<vmem>>
      %dma_wait3A_134 = tpu.memref_squeeze %dma_wait3A_133 : memref<1x4096xf32, #tpu.memory_space<vmem>> -> memref<4096xf32, #tpu.memory_space<vmem>>
      %dma_wait3A_135 = arith.constant 8192 : i32
      %dma_wait3A_136 = tpu.memref_slice %arg4[%add3A_11, %dma_wait3A_135] : memref<832x16384xf32, #tpu.memory_space<hbm>> -> memref<1x4096xf32, #tpu.memory_space<hbm>>
      %dma_wait3A_137 = tpu.memref_squeeze %dma_wait3A_136 : memref<1x4096xf32, #tpu.memory_space<hbm>> -> memref<4096xf32, #tpu.memory_space<hbm>>
      %dma_wait3A_138 = arith.constant 8192 : i32
      %dma_wait3A_139 = tpu.memref_slice %arg4[%add3A_11, %dma_wait3A_138] : memref<832x16384xf32, #tpu.memory_space<hbm>> -> memref<1x4096xf32, #tpu.memory_space<hbm>>
      %dma_wait3A_140 = tpu.memref_squeeze %dma_wait3A_139 : memref<1x4096xf32, #tpu.memory_space<hbm>> -> memref<4096xf32, #tpu.memory_space<hbm>>
      %dma_wait3A_141 = arith.constant 0 : i32
      %dma_wait3A_142 = tpu.memref_slice %arg7[%dma_wait3A_131, %dma_wait3A_141] : memref<2x4096xf32, #tpu.memory_space<vmem>> -> memref<1x4096xf32, #tpu.memory_space<vmem>>
      %dma_wait3A_143 = tpu.memref_squeeze %dma_wait3A_142 : memref<1x4096xf32, #tpu.memory_space<vmem>> -> memref<4096xf32, #tpu.memory_space<vmem>>
      tpu.wait_dma2 semaphore(%arg8 : memref<!tpu.dma_semaphore, #tpu.memory_space<semaphore_mem>>) src(%dma_wait3A_143 : memref<4096xf32, #tpu.memory_space<vmem>>) dst(%dma_wait3A_140 : memref<4096xf32, #tpu.memory_space<hbm>>)
      %dma_wait3A_144 = arith.constant 1 : i32
      %dma_wait3A_145 = arith.constant 0 : i32
      %dma_wait3A_146 = tpu.memref_slice %arg7[%dma_wait3A_144, %dma_wait3A_145] : memref<2x4096xf32, #tpu.memory_space<vmem>> -> memref<1x4096xf32, #tpu.memory_space<vmem>>
      %dma_wait3A_147 = tpu.memref_squeeze %dma_wait3A_146 : memref<1x4096xf32, #tpu.memory_space<vmem>> -> memref<4096xf32, #tpu.memory_space<vmem>>
      %dma_wait3A_148 = arith.constant 12288 : i32
      %dma_wait3A_149 = tpu.memref_slice %arg4[%add3A_11, %dma_wait3A_148] : memref<832x16384xf32, #tpu.memory_space<hbm>> -> memref<1x4096xf32, #tpu.memory_space<hbm>>
      %dma_wait3A_150 = tpu.memref_squeeze %dma_wait3A_149 : memref<1x4096xf32, #tpu.memory_space<hbm>> -> memref<4096xf32, #tpu.memory_space<hbm>>
      %dma_wait3A_151 = arith.constant 12288 : i32
      %dma_wait3A_152 = tpu.memref_slice %arg4[%add3A_11, %dma_wait3A_151] : memref<832x16384xf32, #tpu.memory_space<hbm>> -> memref<1x4096xf32, #tpu.memory_space<hbm>>
      %dma_wait3A_153 = tpu.memref_squeeze %dma_wait3A_152 : memref<1x4096xf32, #tpu.memory_space<hbm>> -> memref<4096xf32, #tpu.memory_space<hbm>>
      %dma_wait3A_154 = arith.constant 0 : i32
      %dma_wait3A_155 = tpu.memref_slice %arg7[%dma_wait3A_144, %dma_wait3A_154] : memref<2x4096xf32, #tpu.memory_space<vmem>> -> memref<1x4096xf32, #tpu.memory_space<vmem>>
      %dma_wait3A_156 = tpu.memref_squeeze %dma_wait3A_155 : memref<1x4096xf32, #tpu.memory_space<vmem>> -> memref<4096xf32, #tpu.memory_space<vmem>>
      tpu.wait_dma2 semaphore(%arg8 : memref<!tpu.dma_semaphore, #tpu.memory_space<semaphore_mem>>) src(%dma_wait3A_156 : memref<4096xf32, #tpu.memory_space<vmem>>) dst(%dma_wait3A_153 : memref<4096xf32, #tpu.memory_space<hbm>>)
      scf.yield %select_n3A : i32
    }
    %scan3A_8 = arith.constant 26 : i32
    return
  }
}

</mosaic_0001>

<sc_bundles>
// kernel: kernel.3.cloned.1.call-start
scs
__scs_entry_jumppad:
0x0: {  	(pc) =	sbr.rel $0x88, $3  }
0x1: {  	(tag) =	ssettag $0x0;
	lr =	simm.s32 $0x1  }
0x2: {  	[smem:$0x3F9F] =	sst lr;
	_ =	strace $0xD0000000  }
0x3: {  	_ = 	snop  }
0x4: {  	_ = 	snop  }
0x5: {  	_ = 	snop  }
0x6: {  	_ = 	snop  }
0x7: {  	_ = 	snop  }
__scs_overlays_trampoline_lowered:
0x8: {  	[smem:$0x3FAE] =	sst s0  }
0x9: {  	[smem:$0x3FAF] =	sst s1  }
0xa: {  	[smem:$0x3FB0] =	sst s2  }
0xb: {  	[smem:$0x3FB1] =	sst s3  }
0xc: {  	[smem:$0x3FB2] =	sst s4  }
0xd: {  	[smem:$0x3FB3] =	sst s5  }
0xe: {  	[smem:$0x3FB4] =	sst s6  }
0xf: {  	[smem:$0x3FB5] =	sst s7  }
0x10: {  	[smem:$0x3FB6] =	sst s8  }
0x11: {  	[smem:$0x3FB7] =	sst s9;
	s0 =	simm.s32 @!p0 $0x0  }
0x12: {  	s1 =	sld [smem:$0x3F9D];
	s0 =	simm.s32 @p0 $0x1  }
0x13: {  	[smem:$0x3FB8] =	sst s0;
	s0 =	simm.s32 @!p1 $0x0  }
0x14: {  	s2 =	sld [smem:$0x3F9C];
	s0 =	simm.s32 @p1 $0x1  }
0x15: {  	[smem:$0x3FB9] =	sst s0;
	s0 =	simm.s32 @!p2 $0x0  }
0x16: {  	s3 =	sld [smem:$0x3FDB];
	s0 =	simm.s32 @p2 $0x1  }
0x17: {  	s4 =	simm.s32 $0x1BF5;
	[smem:$0x3FBB] =	sst s0  }
0x18: {  	s0 =	sld [smem:$0x3F9E];
	_ =	swait.ge [sflag:s4], $0x0  }
0x19: {  	s7 =	sld [smem:$0x3F9F]  }
0x1a: {  	s8 =	sadd.s32 $0xFFFFE003, lr  }
0x1b: {  	s9 =	sadd.s32 $0xFFFFFEF7, lr;
	s5 =	simm.s32 $0xFFFFFFFF;
	p2 =	slt.u32 s8, $0xFFFFF086  }
0x1c: {  	p1 =	slt.u32 s9, $0xF7A;
	s5 =	simm.s32 @!p2 $0x0  }
0x1d: {  	s5 =	simm.s32 @p1 $0x1;
	p0 =	seq.s32 s7, s2  }
0x1e: {  	s7 =	smul.u32 @!p0 $0xF7A, s2;
	p2 =	seq.s32 @!p0 s5, $0x0  }
0x1f: {  	s9 =	smul.u32 $0xF7A, s1;
	s8 =	simm.s32 @!p0 $0x1BF5;
	p2 =	por !p2, p0  }
0x20: {  	[sflag:s8] =	ssyncset.s32 @!p0 $0xFFFFF086;
	s6 =	sadd.s32 @!p0 s3, s7;
	s7 =	simm.s32 @!p0 $0x108  }
0x21: {  	s3 =	sadd.s32 s3, s9;
	s6 =	sadd.s32 @!p0 $0x88, s6;
	s7 =	simm.s32 @p2 $0x1082  }
0x22: {  	[simem:s7], [sflag:s8] =	dma.local @!p0 [hbm:s6], $0xF7A  }
0x23: {  	s9 =	sor.u32 $0xD0000000, s2;
	s6 =	simm.s32 $0x108;
	_ =	swait.ge @!p0 [sflag:s8], $0x0  }
0x24: {  	s3 =	sadd.s32 $0x88, s3;
	s6 =	simm.s32 @!p1 $0x1082;
	[sflag:s4] =	ssyncset.s32 $0xFFFFF086  }
0x25: {  	[simem:s6], [sflag:s4] =	dma.local [hbm:s3], $0xF7A  }
0x26: {  	[smem:$0x3F9F] =	sst s1;
	(tag) =	ssettag s2;
	_ =	strace s9  }
0x27: {  	s1 =	sld [smem:$0x3FAF]  }
0x28: {  	s2 =	sld [smem:$0x3FB0]  }
0x29: {  	s4 =	sld [smem:$0x3FB2]  }
0x2a: {  	p0 =	seq.s32 s5, $0x0;
	s5 =	sld [smem:$0x3FB3]  }
0x2b: {  	s6 =	sld [smem:$0x3FB4]  }
0x2c: {  	s7 =	sld [smem:$0x3FB5]  }
0x2d: {  	s3 =	simm.s32 $0x108;
	s8 =	sld [smem:$0x3FB6]  }
0x2e: {  	s3 =	simm.s32 @!p0 $0x1082;
	s9 =	sld [smem:$0x3FB7]  }
0x2f: {  	lr =	sadd.s32 s0, s3;
	s0 =	sld [smem:$0x3FAE]  }
0x30: {  	s3 =	sld [smem:$0x3FB1]  }
0x31: {  	[smem:$0x3FBA] =	sst s10  }
0x32: {  	s10 =	sld [smem:$0x3FB8];
	_ =	sdelay $0x3  }
0x33: {  	p0 =	seq.s32 s10, $0x1;
	s10 =	sld [smem:$0x3FBA];
	_ =	sdelay $0x3  }
0x34: {  	[smem:$0x3FBA] =	sst s10  }
0x35: {  	s10 =	sld [smem:$0x3FB9];
	_ =	sdelay $0x3  }
0x36: {  	p1 =	seq.s32 s10, $0x1;
	s10 =	sld [smem:$0x3FBA];
	_ =	sdelay $0x3  }
0x37: {  	[smem:$0x3FBA] =	sst s10  }
0x38: {  	s10 =	sld [smem:$0x3FBB]  }
0x39: {  	_ = 	snop;
	(pc) =	sbr.ind lr, $3  }
0x3a: {  	_ = 	snop  }
0x3b: {  	_ = 	snop  }
0x3c: {  	p2 =	seq.s32 s10, $0x1;
	s10 =	sld [smem:$0x3FBA]  }
0x3d: {  	_ =	shalt  }
0x3e: {  	_ =	shalt  }
0x3f: {  	_ =	shalt  }
0x40: {  	_ =	shalt  }
0x41: {  	_ =	shalt  }
0x42: {  	_ =	shalt  }
0x43: {  	_ =	shalt  }
0x44: {  	_ =	shalt  }
0x45: {  	_ =	shalt  }
0x46: {  	_ =	shalt  }
0x47: {  	_ =	shalt  }
0x48: {  	_ =	shalt  }
0x49: {  	_ =	shalt  }
0x4a: {  	_ =	shalt  }
0x4b: {  	_ =	shalt  }
0x4c: {  	_ =	shalt  }
0x4d: {  	_ =	shalt  }
0x4e: {  	_ =	shalt  }
0x4f: {  	_ =	shalt  }
0x50: {  	_ =	shalt  }
0x51: {  	_ =	shalt  }
0x52: {  	_ =	shalt  }
0x53: {  	_ =	shalt  }
0x54: {  	_ =	shalt  }
0x55: {  	_ =	shalt  }
0x56: {  	_ =	shalt  }
0x57: {  	_ =	shalt  }
0x58: {  	_ =	shalt  }
0x59: {  	_ =	shalt  }
0x5a: {  	_ =	shalt  }
0x5b: {  	_ =	shalt  }
0x5c: {  	_ =	shalt  }
0x5d: {  	_ =	shalt  }
0x5e: {  	_ =	shalt  }
0x5f: {  	_ =	shalt  }
0x60: {  	_ =	shalt  }
0x61: {  	_ =	shalt  }
0x62: {  	_ =	shalt  }
0x63: {  	_ =	shalt  }
0x64: {  	_ =	shalt  }
0x65: {  	_ =	shalt  }
0x66: {  	_ =	shalt  }
0x67: {  	_ =	shalt  }
0x68: {  	_ =	shalt  }
0x69: {  	_ =	shalt  }
0x6a: {  	_ =	shalt  }
0x6b: {  	_ =	shalt  }
0x6c: {  	_ =	shalt  }
0x6d: {  	_ =	shalt  }
0x6e: {  	_ =	shalt  }
0x6f: {  	_ =	shalt  }
0x70: {  	_ =	shalt  }
0x71: {  	_ =	shalt  }
0x72: {  	_ =	shalt  }
0x73: {  	_ =	shalt  }
0x74: {  	_ =	shalt  }
0x75: {  	_ =	shalt  }
0x76: {  	_ =	shalt  }
0x77: {  	_ =	shalt  }
0x78: {  	_ =	shalt  }
0x79: {  	_ =	shalt  }
0x7a: {  	_ =	shalt  }
0x7b: {  	_ =	shalt  }
0x7c: {  	_ =	shalt  }
0x7d: {  	_ =	shalt  }
0x7e: {  	_ =	shalt  }
0x7f: {  	_ =	shalt  }
0x80: {  	_ =	shalt  }
0x81: {  	_ =	shalt  }
0x82: {  	_ =	shalt  }
0x83: {  	_ =	shalt  }
0x84: {  	_ =	shalt  }
0x85: {  	_ =	shalt  }
0x86: {  	_ =	shalt  }
0x87: {  	_ =	shalt  }
.Lfunc_end0:
.L_simem_size_0:
called_computation_lowered:
.L_overlay_start_0:
0x88: {  	s2 =	sld [smem:$0x3FD9]  }
0x89: {  	s3 =	sld [smem:$0x3FFE];
	_ =	sdelay $0x1  }
0x8a: {  	s1 =	srdreg.scid  }
0x8b: {  	s0 =	sand.u32 $0x1, s1  }
0x8c: {  	s18 =	sshll.u32 s0, $0xA;
	s2 =	sadd.s32 s3, s2  }
0x8d: {  	s2 =	sadd.s32 s2, s18  }
0x8e: {  	[smem:$0x3FC6] =	sst s2  }
0x8f: {  	_ = 	snop  }
0x90: {  	s2 =	sld [smem:$0x3FC9]  }
0x91: {  	s19 =	sld [smem:$0x3FC8]  }
0x92: {  	s4 =	sld [smem:$0x3FD0];
	(tm) =	ssettm $0x1  }
0x93: {  	s5 =	sld [smem:$0x3FFB];
	_ =	sdelay $0x3  }
0x94: {  	_ =	strace s5  }
0x95: {  	s5 =	sld [smem:$0x3FFC];
	_ =	sdelay $0x3  }
0x96: {  	_ =	strace s5  }
0x97: {  	s5 =	sld [smem:$0x3FFD];
	_ =	sdelay $0x3  }
0x98: {  	_ =	strace s5  }
0x99: {  	_ =	strace $0x8FFFFFFF  }
0x9a: {  	s20 =	sld [smem:$0x3FDB];
	_ =	sdelay $0x1  }
0x9b: {  	s6 =	simm.s32 $_scs_section_size  }
0x9c: {  	s7 =	simm.s32 $_size__tile_overlayer_lowered;
	s8 =	simm.s32 $_tile_overlayer_lowered  }
0x9d: {  	s23 =	simm.s32 $0x1BFF;
	s22 =	sshll.u32 s8, $0x1;
	s5 =	sadd.s32 s6, s20  }
0x9e: {  	s9 =	simm.s32 $0x0;
	s21 =	sshll.u32 s7, $0x1;
	s7 =	sadd.s32 s22, s5  }
0x9f: {  	[timem:s9], [sflag:s23] =	dma.local [hbm:s7], s21  }
0xa0: {  	_ =	swait.ge [sflag:s23], s21  }
0xa1: {  	s6 =	ssub.s32 $0x0, s21;
	[sflag:s23] =	ssyncset.done $0x0  }
0xa2: {  	[sflag:s23] =	ssyncadd.s32 s6;
	_ =	sdelay $0x1  }
0xa3: {  	s24 =	simm.s32 $0x1B8B  }
0xa4: {  	_ =	swait.ge [sflag:s24], $0x1  }
0xa5: {  	[sflag:s24] =	ssyncset.done $0x0  }
0xa6: {  	s25 =	simm.s32 $0x1B8E;
	[sflag:s24] =	ssyncadd.s32 $0xFFFFFFFF  }
0xa7: {  	s26 =	simm.s32 $execute0_lowered;
	[smem:$0x3FD2] =	sst s25  }
0xa8: {  	s6 =	sshll.u32 s26, $0x1;
	_ =	strace $0x80000046;
	[dreg:$0x1] =	wrdreg $0xFFFFFFFF  }
0xa9: {  	s28 =	simm.s32 $_size_execute0_lowered;
	s5 =	sadd.s32 s5, s6;
	[dreg:$0x0] =	wrdreg $0x0  }
0xaa: {  	s6 =	sshll.u32 s28, $0x1;
	[dreg:$0x2] =	wrdreg s5  }
0xab: {  	[dreg:$0x3] =	wrdreg s6  }
0xac: {  	[dreg:$0x4] =	wrdreg $0xC0  }
0xad: {  	_ =	task [dreg:s9], $0x5FFFF  }
0xae: {  	[dreg:$0x1] =	wrdreg $0xFFFFFFFF  }
0xaf: {  	[dreg:$0x0] =	wrdreg $0x60  }
0xb0: {  	[dreg:$0x2] =	wrdreg s2  }
0xb1: {  	[dreg:$0x3] =	wrdreg s19  }
0xb2: {  	[dreg:$0x4] =	wrdreg s4  }
0xb3: {  	[dreg:$0x5] =	wrdreg $0x9  }
0xb4: {  	_ =	task.clear_ibuf [dreg:s9], $0x6FFFF;
	_ =	strace $0x90000046  }
0xb5: {  	s29 =	simm.s32 $0x9;
	_ =	strace $0x80000048  }
0xb6: {  	_ =	swait.ge [sflag:s29], $0x1  }
0xb7: {  	[sflag:s29] =	ssyncadd.s32 $0xFFFFFFFF  }
0xb8: {  	_ =	strace $0x90000048  }
0xb9: {  	_ =	sfence  }
0xba: {  	s30 =	sld [smem:$0x0];
	_ =	sdelay $0x2  }
0xbb: {  	s31 =	sshll.u32 s1, $0xD;
	s1 =	sshrl.u32 s1, $0x2  }
0xbc: {  	s3 =	sand.u32 $0x4000, s31;
	s1 =	sadd.s32 s1, s30  }
0xbd: {  	s0 =	sor.u32 s3, s0;
	s1 =	sshll.u32 s1, $0x11  }
0xbe: {  	s0 =	sor.u32 s1, s0  }
0xbf: {  	s0 =	sadd.s32 $0x8F2B, s0  }
0xc0: {  	[sflag:s0] =	ssyncadd.remote.s32 $0x1  }
0xc1: {  	_ =	sfence.sel $0xFFFF  }
0xc2: {  	[dreg:$0x0] =	wrdreg $0xFFFFFFFF;
	(pc) =	sbr.abs _section_cstart, $3  }
0xc3: {  	[dreg:$0x1] =	wrdreg $0xFFFFFFFF  }
0xc4: {  	_ =	task.clear_ibuf [dreg:s9], $0x2FFFF;
	_ =	strace $0x9FFFFFFF  }
0xc5: {  	(tm) =	ssettm $0x7FFFFFFF  }
tec
execute0_lowered:
.L_overlay_start_1:
0x0: {  	(tag) =	ssettag $0x1  }
0x1: {  	s1 =	rddreg [dreg:$0x0]  }
0x2: {  	s3 =	rddreg [dreg:$0x1]  }
0x3: {  	s4 =	rddreg [dreg:$0x2];
	s5 =	srdreg.scid  }
0x4: {  	s0 =	rddreg [dreg:$0x3];
	s2 =	stileid.u32;
	s11 =	simm.s32 $0x80  }
0x5: {  	s12 =	simm.s32 $0x400;
	s13 =	simm.s32 $0x2;
	s14 =	simm.s32 $0x1  }
0x6: {  	s15 =	simm.s32 $0x0;
	s6 =	sand.u32 $0x1, s5;
	s5 =	simm.s32 $0x0  }
0x7: {  	s8 =	sshll.u32 s2, $0x1;
	s7 =	ssub.s32 $0x2, s6;
	[smem:$0x7FF] =	sst s5  }
0x8: {  	s6 =	sor.u32 s6, s8;
	s8 =	sadd.s32 $0x2000, s4;
	s9 =	sshrl.u32 s7, $0x1  }
0x9: {  	_ =	strace $0x80000047;
	s6 =	smul.u32 $0x1A, s6;
	s10 =	ssub.s32 s7, s9  }
0xa: {  	s7 =	sadd.s32 $0x1000, s4;
	s9 =	sadd.s32 $0x3000, s4;
	s10 =	smax.u32 s10, $0x1  }
.LBB2_1:
0xb: {  	s17 =	simm.s32 $0xFFFFFFFF;
	s16 =	simm.s32 $0x0  }
.LBB2_2:
0xc: {  	s18 =	sadd.s32 s6, s16  }
0xd: {  	s19 =	smov.u32 s17;
	s17 =	sshrl.u32 s18, $0x5  }
0xe: {  	p0 =	seq.s32 s17, s19  }
0xf: {  	s19 =	sshll.u32 @!p0 s17, $0x4  }
0x10: {  	s28 =	sshrl.u32 s18, $0x3;
	s20 =	sshll.u32 @!p0 s17, $0xB;
	s19 =	sand.u32 @!p0 $0x70, s19  }
0x11: {  	s21 =	simm.s32 @!p0 $0x400;
	s20 =	sand.u32 @!p0 $0xFFFC000, s20;
	s19 =	sadd.s32 @!p0 s1, s19  }
0x12: {  	s22 =	simm.s32 @!p0 $0x18700;
	s19 =	sadd.s32 @!p0 s20, s19;
	s20 =	simm.s32 @!p0 $0x80  }
0x13: {  	[tilespmem:s22], [sflag:$0x2] =	stream.strided.gather @!p0 [hbm4b:s19+s20], $0x4000, s21, s20, $0x38;
	[tilespmem:$0x1E700] =	vst v63  }
0x14: {  	s29 =	smul.u32 $0x30E000, s17;
	s19 =	sand.u32 $0x3, s28  }
0x15: {  	s19 =	smul.u32 $0xC3800, s19  }
0x16: {  	s30 =	sshll.u32 s18, $0x7  }
0x17: {  	s22 =	simm.s32 @!p0 $0x2;
	s20 =	sadd.s32 s29, s19;
	s19 =	sand.u32 $0x380, s30  }
0x18: {  	_ =	swait.ge @!p0 [sflag:s22], $0x4000;
	s20 =	sor.u32 s19, s20  }
0x19: {  	[sflag:s22] =	ssyncset.done @!p0 $0x0;
	s20 =	sshrl.u32 s20, $0x3  }
0x1a: {  	[sflag:s22] =	ssyncadd.s32 @!p0 $0xFFFFC000;
	s20 =	sadd.s32 s3, s20  }
0x1b: {  	[tilespmem:s5], [sflag:$0x2] =	stream.strided.gather [hbm4b:s20+s11], $0x18700, s12, s11, $0x38;
	[tilespmem:$0x1E700] =	vst v63  }
0x1c: {  	_ =	swait.ge [sflag:s13], $0x18700  }
0x1d: {  	[sflag:s13] =	ssyncset.done $0x0  }
0x1e: {  	s31 =	simm.s32 $0x18740;
	[sflag:s13] =	ssyncadd.s32 $0xFFFE7900  }
0x1f: {  	v0 =	vld [tilespmem:s31+$0x30]  }
0x20: {  	v1 =	vld [tilespmem:s31+$0xFFFFFFD0]  }
0x21: {  	v2 =	vld [tilespmem:s31+$0xFFFFFFE0]  }
0x22: {  	v3 =	vld [tilespmem:s31+$0xFFFFFFF0]  }
0x23: {  	v6 =	vld [tilespmem:s31+$0x0]  }
0x24: {  	v7 =	vld [tilespmem:s31+$0x10]  }
0x25: {  	v8 =	vld [tilespmem:s31+$0x20]  }
0x26: {  	v9 =	vld [tilespmem:s31+$0xFFFFFFC0]  }
0x27: {  	v10 =	vld.idx.msk [tilespmem:v0+s5+$0x0], $0xffff  }
0x28: {  	v11 =	vld.idx.msk [tilespmem:v1+s5+$0x0], $0xffff  }
0x29: {  	v5 =	vld.idx.msk [tilespmem:v2+s5+$0x0], $0xffff  }
0x2a: {  	v4 =	vld.idx.msk [tilespmem:v3+s5+$0x0], $0xffff  }
0x2b: {  	v3 =	vld.idx.msk [tilespmem:v6+s5+$0x0], $0xffff  }
0x2c: {  	s20 =	simm.s32 $0x1C740;
	v1 =	vld.idx.msk [tilespmem:v7+s5+$0x0], $0xffff  }
0x2d: {  	v0 =	vld.idx.msk [tilespmem:v8+s5+$0x0], $0xffff;
	[tilespmem:s20+$0x30] =	vst v10  }
0x2e: {  	s21 =	simm.s32 $0x0;
	s22 =	simm.s32 $0x187C0;
	v2 =	vld.idx.msk [tilespmem:v9+s5+$0x0], $0xffff;
	[tilespmem:s20+$0xFFFFFFD0] =	vst v11  }
.LBB2_3:
0x2f: {  	v6 =	vld [tilespmem:s22+$0x30];
	s21 =	sadd.s32 $0x80, s21;
	[tilespmem:s20+$0xFFFFFFE0] =	vst v5  }
0x30: {  	v5 =	vld [tilespmem:s22+$0xFFFFFFD0];
	p0 =	slt.u32 s21, $0xF80;
	[tilespmem:s20+$0xFFFFFFF0] =	vst v4  }
0x31: {  	v4 =	vld [tilespmem:s22+$0xFFFFFFE0];
	[tilespmem:s20+$0x0] =	vst v3  }
0x32: {  	v3 =	vld [tilespmem:s22+$0xFFFFFFF0];
	[tilespmem:s20+$0x10] =	vst v1  }
0x33: {  	v1 =	vld [tilespmem:s22+$0x0];
	[tilespmem:s20+$0x20] =	vst v0  }
0x34: {  	v0 =	vld [tilespmem:s22+$0x10];
	[tilespmem:s20+$0xFFFFFFC0] =	vst v2  }
0x35: {  	v2 =	vld [tilespmem:s22+$0x20]  }
0x36: {  	v7 =	vld [tilespmem:s22+$0xFFFFFFC0]  }
0x37: {  	v6 =	vld.idx.msk [tilespmem:v6+s5+$0x0], $0xffff  }
0x38: {  	v8 =	vld.idx.msk [tilespmem:v5+s5+$0x0], $0xffff  }
0x39: {  	v5 =	vld.idx.msk [tilespmem:v4+s5+$0x0], $0xffff  }
.Ltmp0:
0x3a: {  	v4 =	vld.idx.msk [tilespmem:v3+s5+$0x0], $0xffff;
	(pc) =	sbr.rel @p0 .LBB2_3-.Ltmp0, $4  }
0x3b: {  	v3 =	vld.idx.msk [tilespmem:v1+s5+$0x0], $0xffff  }
0x3c: {  	s20 =	sadd.s32 $0x100, s20;
	v1 =	vld.idx.msk [tilespmem:v0+s5+$0x0], $0xffff  }
0x3d: {  	v0 =	vld.idx.msk [tilespmem:v2+s5+$0x0], $0xffff;
	[tilespmem:s20+$0x30] =	vst v6  }
0x3e: {  	s22 =	sadd.s32 $0x80, s22;
	v2 =	vld.idx.msk [tilespmem:v7+s5+$0x0], $0xffff;
	[tilespmem:s20+$0xFFFFFFD0] =	vst v8  }
0x3f: {  	[tilespmem:s20+$0xFFFFFFE0] =	vst v5  }
0x40: {  	[tilespmem:s20+$0xFFFFFFF0] =	vst v4;
	s18 =	sshll.u32 s18, $0xE  }
0x41: {  	[tilespmem:s20+$0x0] =	vst v3;
	s18 =	sand.u32 $0x7FFE0000, s18  }
0x42: {  	[tilespmem:s20+$0x10] =	vst v1;
	s18 =	sor.u32 s19, s18  }
0x43: {  	[tilespmem:s20+$0x20] =	vst v0;
	s18 =	sshrl.u32 s18, $0x3  }
0x44: {  	s21 =	simm.s32 $0x1C700;
	[tilespmem:s20+$0xFFFFFFC0] =	vst v2;
	s19 =	sadd.s32 s4, s18;
	s20 =	simm.s32 $0x0  }
.LBB2_5:
0x45: {  	p0 =	sne.s32 s20, $0xF80  }
.Ltmp1:
0x46: {  	_ = 	snop;
	(pc) =	sbr.rel @p0 .LBB2_5-.Ltmp1, $4  }
0x47: {  	_ = 	snop  }
0x48: {  	s22 =	sadd.s32 s20, s19  }
0x49: {  	[hbm4b:s22+s5] =	stream.linear.scatter [tilespmem:s21], [sflag:$0x1], $0x80, $0x38;
	[tilespmem:$0x1E700] =	vst v63  }
0x4a: {  	s20 =	sadd.s32 $0x80, s20;
	s21 =	sadd.s32 $0x100, s21  }
0x4b: {  	s19 =	simm.s32 $0x19770  }
0x4c: {  	v0 =	vld [tilespmem:s19+$0x0]  }
0x4d: {  	v1 =	vld [tilespmem:s19+$0xFFFFFFA0]  }
0x4e: {  	v2 =	vld [tilespmem:s19+$0xFFFFFFB0]  }
0x4f: {  	v3 =	vld [tilespmem:s19+$0xFFFFFFC0]  }
0x50: {  	v6 =	vld [tilespmem:s19+$0xFFFFFFD0]  }
0x51: {  	v7 =	vld [tilespmem:s19+$0xFFFFFFE0]  }
0x52: {  	v8 =	vld [tilespmem:s19+$0xFFFFFFF0]  }
0x53: {  	v9 =	vld [tilespmem:s19+$0xFFFFFF90]  }
0x54: {  	v10 =	vld.idx.msk [tilespmem:v0+s5+$0x0], $0xffff  }
0x55: {  	v11 =	vld.idx.msk [tilespmem:v1+s5+$0x0], $0xffff  }
0x56: {  	v5 =	vld.idx.msk [tilespmem:v2+s5+$0x0], $0xffff  }
0x57: {  	v4 =	vld.idx.msk [tilespmem:v3+s5+$0x0], $0xffff  }
0x58: {  	v0 =	vld.idx.msk [tilespmem:v6+s5+$0x0], $0xffff  }
0x59: {  	s19 =	simm.s32 $0x1C7F0;
	v1 =	vld.idx.msk [tilespmem:v7+s5+$0x0], $0xffff  }
0x5a: {  	v2 =	vld.idx.msk [tilespmem:v8+s5+$0x0], $0xffff;
	[tilespmem:s19+$0x0] =	vst v10  }
0x5b: {  	s20 =	simm.s32 $0x0;
	s21 =	simm.s32 $0x197F0;
	v3 =	vld.idx.msk [tilespmem:v9+s5+$0x0], $0xffff;
	[tilespmem:s19+$0xFFFFFFA0] =	vst v11  }
.LBB2_7:
0x5c: {  	v6 =	vld [tilespmem:s21+$0x0];
	s20 =	sadd.s32 $0x80, s20;
	[tilespmem:s19+$0xFFFFFFB0] =	vst v5  }
0x5d: {  	v5 =	vld [tilespmem:s21+$0xFFFFFFA0];
	p0 =	slt.u32 s20, $0xF80;
	[tilespmem:s19+$0xFFFFFFC0] =	vst v4  }
0x5e: {  	v4 =	vld [tilespmem:s21+$0xFFFFFFB0];
	[tilespmem:s19+$0xFFFFFFD0] =	vst v0  }
0x5f: {  	v0 =	vld [tilespmem:s21+$0xFFFFFFC0];
	[tilespmem:s19+$0xFFFFFFE0] =	vst v1  }
0x60: {  	v1 =	vld [tilespmem:s21+$0xFFFFFFD0];
	[tilespmem:s19+$0xFFFFFFF0] =	vst v2  }
0x61: {  	v2 =	vld [tilespmem:s21+$0xFFFFFFE0];
	[tilespmem:s19+$0xFFFFFF90] =	vst v3  }
0x62: {  	v3 =	vld [tilespmem:s21+$0xFFFFFFF0]  }
0x63: {  	v7 =	vld [tilespmem:s21+$0xFFFFFF90]  }
0x64: {  	v6 =	vld.idx.msk [tilespmem:v6+s5+$0x0], $0xffff  }
0x65: {  	v8 =	vld.idx.msk [tilespmem:v5+s5+$0x0], $0xffff  }
0x66: {  	v5 =	vld.idx.msk [tilespmem:v4+s5+$0x0], $0xffff  }
.Ltmp2:
0x67: {  	v4 =	vld.idx.msk [tilespmem:v0+s5+$0x0], $0xffff;
	(pc) =	sbr.rel @p0 .LBB2_7-.Ltmp2, $4  }
0x68: {  	v0 =	vld.idx.msk [tilespmem:v1+s5+$0x0], $0xffff  }
0x69: {  	s19 =	sadd.s32 $0x100, s19;
	v1 =	vld.idx.msk [tilespmem:v2+s5+$0x0], $0xffff  }
0x6a: {  	v2 =	vld.idx.msk [tilespmem:v3+s5+$0x0], $0xffff;
	[tilespmem:s19+$0x0] =	vst v6  }
0x6b: {  	s21 =	sadd.s32 $0x80, s21;
	v3 =	vld.idx.msk [tilespmem:v7+s5+$0x0], $0xffff;
	[tilespmem:s19+$0xFFFFFFA0] =	vst v8  }
0x6c: {  	[tilespmem:s19+$0xFFFFFFB0] =	vst v5  }
0x6d: {  	[tilespmem:s19+$0xFFFFFFC0] =	vst v4  }
0x6e: {  	[tilespmem:s19+$0xFFFFFFD0] =	vst v0  }
0x6f: {  	[tilespmem:s19+$0xFFFFFFE0] =	vst v1  }
0x70: {  	s20 =	sadd.s32 s18, s7;
	s21 =	simm.s32 $0x1C780;
	[tilespmem:s19+$0xFFFFFFF0] =	vst v2  }
0x71: {  	s22 =	simm.s32 $0x1C880;
	s23 =	sadd.s32 $0x0, s20;
	[tilespmem:s19+$0xFFFFFF90] =	vst v3;
	s19 =	simm.s32 $0x80  }
.LBB2_9:
0x72: {  	[hbm4b:s23+s5] =	stream.linear.scatter [tilespmem:s21], [sflag:$0x1], $0x80, $0x38;
	[tilespmem:$0x1E700] =	vst v63  }
0x73: {  	s23 =	smov.u32 s19;
	s21 =	smov.u32 s22;
	p0 =	sne.s32 s19, $0xF80  }
.Ltmp3:
0x74: {  	s19 =	sadd.s32 $0x80, s19;
	(pc) =	sbr.rel @p0 .LBB2_9-.Ltmp3, $2  }
0x75: {  	_ =	sdelay $0x2  }
0x76: {  	s22 =	sadd.s32 $0x100, s22;
	s23 =	sadd.s32 s23, s20  }
0x77: {  	[hbm4b:s23+s5] =	stream.linear.scatter [tilespmem:s21], [sflag:$0x1], $0x80, $0x38;
	[tilespmem:$0x1E700] =	vst v63  }
0x78: {  	_ =	swait.ge [sflag:s14], $0x1000  }
0x79: {  	[sflag:s14] =	ssyncset.done $0x0  }
0x7a: {  	s19 =	simm.s32 $0x1A770;
	[sflag:s14] =	ssyncadd.s32 $0xFFFFF000  }
0x7b: {  	v0 =	vld [tilespmem:s19+$0x0]  }
0x7c: {  	v1 =	vld [tilespmem:s19+$0xFFFFFFA0]  }
0x7d: {  	v2 =	vld [tilespmem:s19+$0xFFFFFFB0]  }
0x7e: {  	v3 =	vld [tilespmem:s19+$0xFFFFFFC0]  }
0x7f: {  	v6 =	vld [tilespmem:s19+$0xFFFFFFD0]  }
0x80: {  	v7 =	vld [tilespmem:s19+$0xFFFFFFE0]  }
0x81: {  	v8 =	vld [tilespmem:s19+$0xFFFFFFF0]  }
0x82: {  	v9 =	vld [tilespmem:s19+$0xFFFFFF90]  }
0x83: {  	v10 =	vld.idx.msk [tilespmem:v0+s5+$0x0], $0xffff  }
0x84: {  	v11 =	vld.idx.msk [tilespmem:v1+s5+$0x0], $0xffff  }
0x85: {  	v5 =	vld.idx.msk [tilespmem:v2+s5+$0x0], $0xffff  }
0x86: {  	v4 =	vld.idx.msk [tilespmem:v3+s5+$0x0], $0xffff  }
0x87: {  	v0 =	vld.idx.msk [tilespmem:v6+s5+$0x0], $0xffff  }
0x88: {  	s19 =	simm.s32 $0x1C740;
	v1 =	vld.idx.msk [tilespmem:v7+s5+$0x0], $0xffff  }
0x89: {  	v2 =	vld.idx.msk [tilespmem:v8+s5+$0x0], $0xffff;
	[tilespmem:s19+$0x30] =	vst v10  }
0x8a: {  	s20 =	simm.s32 $0x0;
	s21 =	simm.s32 $0x1A7F0;
	v3 =	vld.idx.msk [tilespmem:v9+s5+$0x0], $0xffff;
	[tilespmem:s19+$0xFFFFFFD0] =	vst v11  }
.LBB2_11:
0x8b: {  	v6 =	vld [tilespmem:s21+$0x0];
	s20 =	sadd.s32 $0x80, s20;
	[tilespmem:s19+$0xFFFFFFE0] =	vst v5  }
0x8c: {  	v5 =	vld [tilespmem:s21+$0xFFFFFFA0];
	p0 =	slt.u32 s20, $0xF80;
	[tilespmem:s19+$0xFFFFFFF0] =	vst v4  }
0x8d: {  	v4 =	vld [tilespmem:s21+$0xFFFFFFB0];
	[tilespmem:s19+$0x0] =	vst v0  }
0x8e: {  	v0 =	vld [tilespmem:s21+$0xFFFFFFC0];
	[tilespmem:s19+$0x10] =	vst v1  }
0x8f: {  	v1 =	vld [tilespmem:s21+$0xFFFFFFD0];
	[tilespmem:s19+$0x20] =	vst v2  }
0x90: {  	v2 =	vld [tilespmem:s21+$0xFFFFFFE0];
	[tilespmem:s19+$0xFFFFFFC0] =	vst v3  }
0x91: {  	v3 =	vld [tilespmem:s21+$0xFFFFFFF0]  }
0x92: {  	v7 =	vld [tilespmem:s21+$0xFFFFFF90]  }
0x93: {  	v6 =	vld.idx.msk [tilespmem:v6+s5+$0x0], $0xffff  }
0x94: {  	v8 =	vld.idx.msk [tilespmem:v5+s5+$0x0], $0xffff  }
0x95: {  	v5 =	vld.idx.msk [tilespmem:v4+s5+$0x0], $0xffff  }
.Ltmp4:
0x96: {  	v4 =	vld.idx.msk [tilespmem:v0+s5+$0x0], $0xffff;
	(pc) =	sbr.rel @p0 .LBB2_11-.Ltmp4, $4  }
0x97: {  	v0 =	vld.idx.msk [tilespmem:v1+s5+$0x0], $0xffff  }
0x98: {  	s19 =	sadd.s32 $0x100, s19;
	v1 =	vld.idx.msk [tilespmem:v2+s5+$0x0], $0xffff  }
0x99: {  	v2 =	vld.idx.msk [tilespmem:v3+s5+$0x0], $0xffff;
	[tilespmem:s19+$0x30] =	vst v6  }
0x9a: {  	s21 =	sadd.s32 $0x80, s21;
	v3 =	vld.idx.msk [tilespmem:v7+s5+$0x0], $0xffff;
	[tilespmem:s19+$0xFFFFFFD0] =	vst v8  }
0x9b: {  	[tilespmem:s19+$0xFFFFFFE0] =	vst v5  }
0x9c: {  	[tilespmem:s19+$0xFFFFFFF0] =	vst v4  }
0x9d: {  	[tilespmem:s19+$0x0] =	vst v0  }
0x9e: {  	[tilespmem:s19+$0x10] =	vst v1  }
0x9f: {  	s20 =	sadd.s32 s18, s8;
	s21 =	simm.s32 $0x1C700;
	[tilespmem:s19+$0x20] =	vst v2  }
0xa0: {  	s22 =	simm.s32 $0x1C800;
	s23 =	sadd.s32 $0x0, s20;
	[tilespmem:s19+$0xFFFFFFC0] =	vst v3;
	s19 =	simm.s32 $0x80  }
.LBB2_13:
0xa1: {  	[hbm4b:s23+s5] =	stream.linear.scatter [tilespmem:s21], [sflag:$0x1], $0x80, $0x38;
	[tilespmem:$0x1E700] =	vst v63  }
0xa2: {  	s23 =	smov.u32 s19;
	s21 =	smov.u32 s22;
	p0 =	sne.s32 s19, $0xF80  }
.Ltmp5:
0xa3: {  	s19 =	sadd.s32 $0x80, s19;
	(pc) =	sbr.rel @p0 .LBB2_13-.Ltmp5, $2  }
0xa4: {  	_ =	sdelay $0x2  }
0xa5: {  	s22 =	sadd.s32 $0x100, s22;
	s23 =	sadd.s32 s23, s20  }
0xa6: {  	[hbm4b:s23+s5] =	stream.linear.scatter [tilespmem:s21], [sflag:$0x1], $0x80, $0x38;
	[tilespmem:$0x1E700] =	vst v63  }
0xa7: {  	_ =	swait.ge [sflag:s14], $0x1000  }
0xa8: {  	[sflag:s14] =	ssyncset.done $0x0  }
0xa9: {  	s19 =	simm.s32 $0x1B770;
	[sflag:s14] =	ssyncadd.s32 $0xFFFFF000  }
0xaa: {  	v0 =	vld [tilespmem:s19+$0x0]  }
0xab: {  	v1 =	vld [tilespmem:s19+$0xFFFFFFA0]  }
0xac: {  	v2 =	vld [tilespmem:s19+$0xFFFFFFB0]  }
0xad: {  	v3 =	vld [tilespmem:s19+$0xFFFFFFC0]  }
0xae: {  	v6 =	vld [tilespmem:s19+$0xFFFFFFD0]  }
0xaf: {  	v7 =	vld [tilespmem:s19+$0xFFFFFFE0]  }
0xb0: {  	v8 =	vld [tilespmem:s19+$0xFFFFFFF0]  }
0xb1: {  	v9 =	vld [tilespmem:s19+$0xFFFFFF90]  }
0xb2: {  	v10 =	vld.idx.msk [tilespmem:v0+s5+$0x0], $0xffff  }
0xb3: {  	v11 =	vld.idx.msk [tilespmem:v1+s5+$0x0], $0xffff  }
0xb4: {  	v5 =	vld.idx.msk [tilespmem:v2+s5+$0x0], $0xffff  }
0xb5: {  	v4 =	vld.idx.msk [tilespmem:v3+s5+$0x0], $0xffff  }
0xb6: {  	v0 =	vld.idx.msk [tilespmem:v6+s5+$0x0], $0xffff  }
0xb7: {  	s19 =	simm.s32 $0x1C7F0;
	v1 =	vld.idx.msk [tilespmem:v7+s5+$0x0], $0xffff  }
0xb8: {  	v2 =	vld.idx.msk [tilespmem:v8+s5+$0x0], $0xffff;
	[tilespmem:s19+$0x0] =	vst v10  }
0xb9: {  	s20 =	simm.s32 $0x0;
	s21 =	simm.s32 $0x1B7F0;
	v3 =	vld.idx.msk [tilespmem:v9+s5+$0x0], $0xffff;
	[tilespmem:s19+$0xFFFFFFA0] =	vst v11  }
.LBB2_15:
0xba: {  	v6 =	vld [tilespmem:s21+$0x0];
	s20 =	sadd.s32 $0x80, s20;
	[tilespmem:s19+$0xFFFFFFB0] =	vst v5  }
0xbb: {  	v5 =	vld [tilespmem:s21+$0xFFFFFFA0];
	p0 =	slt.u32 s20, $0xF80;
	[tilespmem:s19+$0xFFFFFFC0] =	vst v4  }
0xbc: {  	v4 =	vld [tilespmem:s21+$0xFFFFFFB0];
	[tilespmem:s19+$0xFFFFFFD0] =	vst v0  }
0xbd: {  	v0 =	vld [tilespmem:s21+$0xFFFFFFC0];
	[tilespmem:s19+$0xFFFFFFE0] =	vst v1  }
0xbe: {  	v1 =	vld [tilespmem:s21+$0xFFFFFFD0];
	[tilespmem:s19+$0xFFFFFFF0] =	vst v2  }
0xbf: {  	v2 =	vld [tilespmem:s21+$0xFFFFFFE0];
	[tilespmem:s19+$0xFFFFFF90] =	vst v3  }
0xc0: {  	v3 =	vld [tilespmem:s21+$0xFFFFFFF0]  }
0xc1: {  	v7 =	vld [tilespmem:s21+$0xFFFFFF90]  }
0xc2: {  	v6 =	vld.idx.msk [tilespmem:v6+s5+$0x0], $0xffff  }
0xc3: {  	v8 =	vld.idx.msk [tilespmem:v5+s5+$0x0], $0xffff  }
0xc4: {  	v5 =	vld.idx.msk [tilespmem:v4+s5+$0x0], $0xffff  }
.Ltmp6:
0xc5: {  	v4 =	vld.idx.msk [tilespmem:v0+s5+$0x0], $0xffff;
	(pc) =	sbr.rel @p0 .LBB2_15-.Ltmp6, $4  }
0xc6: {  	v0 =	vld.idx.msk [tilespmem:v1+s5+$0x0], $0xffff  }
0xc7: {  	s19 =	sadd.s32 $0x100, s19;
	v1 =	vld.idx.msk [tilespmem:v2+s5+$0x0], $0xffff  }
0xc8: {  	v2 =	vld.idx.msk [tilespmem:v3+s5+$0x0], $0xffff;
	[tilespmem:s19+$0x0] =	vst v6  }
0xc9: {  	s21 =	sadd.s32 $0x80, s21;
	v3 =	vld.idx.msk [tilespmem:v7+s5+$0x0], $0xffff;
	[tilespmem:s19+$0xFFFFFFA0] =	vst v8  }
0xca: {  	[tilespmem:s19+$0xFFFFFFB0] =	vst v5  }
0xcb: {  	[tilespmem:s19+$0xFFFFFFC0] =	vst v4  }
0xcc: {  	[tilespmem:s19+$0xFFFFFFD0] =	vst v0  }
0xcd: {  	[tilespmem:s19+$0xFFFFFFE0] =	vst v1  }
0xce: {  	s18 =	sadd.s32 s18, s9;
	s20 =	simm.s32 $0x1C780;
	[tilespmem:s19+$0xFFFFFFF0] =	vst v2  }
0xcf: {  	s21 =	simm.s32 $0x1C880;
	s22 =	sadd.s32 $0x0, s18;
	[tilespmem:s19+$0xFFFFFF90] =	vst v3;
	s19 =	simm.s32 $0x80  }
.LBB2_17:
0xd0: {  	[hbm4b:s22+s5] =	stream.linear.scatter [tilespmem:s20], [sflag:$0x1], $0x80, $0x38;
	[tilespmem:$0x1E700] =	vst v63  }
0xd1: {  	s22 =	smov.u32 s19;
	s20 =	smov.u32 s21;
	p0 =	sne.s32 s19, $0xF80  }
.Ltmp7:
0xd2: {  	s19 =	sadd.s32 $0x80, s19;
	(pc) =	sbr.rel @p0 .LBB2_17-.Ltmp7, $2  }
0xd3: {  	_ =	sdelay $0x2  }
0xd4: {  	s21 =	sadd.s32 $0x100, s21;
	s22 =	sadd.s32 s22, s18  }
0xd5: {  	[hbm4b:s22+s5] =	stream.linear.scatter [tilespmem:s20], [sflag:$0x1], $0x80, $0x38;
	[tilespmem:$0x1E700] =	vst v63  }
0xd6: {  	s16 =	sadd.s32 $0x1, s16  }
0xd7: {  	_ =	swait.ge [sflag:s14], $0x1000;
	p0 =	sne.s32 s16, $0x1A  }
.Ltmp8:
0xd8: {  	[sflag:s14] =	ssyncset.done $0x0;
	(pc) =	sbr.rel @p0 .LBB2_2-.Ltmp8, $4  }
0xd9: {  	[sflag:s14] =	ssyncadd.s32 $0xFFFFF000  }
0xda: {  	_ =	swait.ge [sflag:s14], $0x1000  }
0xdb: {  	[sflag:s14] =	ssyncset.done $0x0  }
0xdc: {  	[sflag:s14] =	ssyncadd.s32 $0xFFFFF000  }
0xdd: {  	s15 =	sadd.s32 $0x1, s15  }
0xde: {  	p0 =	sne.s32 s15, s10  }
.Ltmp9:
0xdf: {  	_ = 	snop;
	(pc) =	sbr.rel @p0 .LBB2_1-.Ltmp9, $1  }
0xe0: {  	_ =	sdelay $0x3  }
0xe1: {  	_ =	sfence.sel $0x180000  }
0xe2: {  	[bflag:$0x0] =	sbarrier.arrive $0xFFFF  }
0xe3: {  	p0 =	sne.s32 s2, $0x0;
	_ =	strace $0x90000047  }
0xe4: {  	s0 =	sadd.s32 @!p0 $0x100000, s0;
	[bflag:$0x2] =	sbarrier.arrive $0xFFFF  }
0xe5: {  	[sflag:s0] =	ssyncadd.tile.s32 @!p0 $0x1;
	_ =	shalt  }
.Lfunc_end2:
_tile_overlayer_lowered:
.L_overlay_start_2:
0xe6: {  	(tag) =	ssettag $0x2  }
0xe7: {  	s0 =	rddreg [dreg:$0x0];
	s2 =	stileid.u32  }
0xe8: {  	s1 =	rddreg [dreg:$0x1];
	p0 =	sne.s32 s2, $0x0  }
0xe9: {  	s3 =	rddreg [dreg:$0x2];
	[bflag:$0x3] =	sbarrier.arrive $0xFFFF;
	s2 =	simm.s32 @!p0 $0x1C02  }
0xea: {  	[timem:s3], [sflag:s2] =	dma.local @!p0 [hbm:s0], s1  }
0xeb: {  	s0 =	simm.s32 @!p0 $0x2  }
0xec: {  	_ =	swait.ge @!p0 [sflag:s0], s1  }
0xed: {  	s1 =	ssub.s32 @!p0 $0x0, s1;
	[sflag:s0] =	ssyncset.done @!p0 $0x0  }
0xee: {  	[sflag:s0] =	ssyncadd.s32 @!p0 s1  }
0xef: {  	[bflag:$0x3] =	sbarrier.arrive $0xFFFF  }
0xf0: {  	_ =	shalt  }

</sc_bundles>
